<compile_context>
chip_gen: v7x
topology: tpu7x:2x2x1
jax: 0.10.2.dev20260603
libtpu: 0.0.44.dev20260713+nightly
codegen_flags: <defaults>
</compile_context>

<pallas_src>
import functools

import jax
import jax.numpy as jnp
from jax import lax
from jax.experimental import pallas as pl
from jax.experimental.pallas import tpu as pltpu
from jax.experimental.pallas import tpu_sc as plsc

NUM_FIELDS = 26
VOCAB = 100000
EMBED_DIM = 32
BATCH = 4096

NC, NS, L = 2, 16, 16
NW = NC * NS
NQ = NUM_FIELDS * EMBED_DIM
PER_W = NQ // NW


def _multi_embed(x_t, tbl2):
    mesh = plsc.VectorSubcoreMesh(core_axis_name="c", subcore_axis_name="s")

    @functools.partial(
        pl.kernel,
        mesh=mesh,
        out_type=jax.ShapeDtypeStruct((NQ, BATCH), jnp.float32),
        scratch_types=[
            pltpu.VMEM((VOCAB,), jnp.float32),
            pltpu.VMEM((BATCH,), jnp.int32),
            pltpu.VMEM((BATCH,), jnp.float32),
            pltpu.SemaphoreType.DMA,
            pltpu.SemaphoreType.DMA,
        ],
        compiler_params=pltpu.CompilerParams(
            use_tc_tiling_on_sc=True, needs_layout_passes=False
        ),
    )
    def k(xt_hbm, tbl_hbm, out_hbm, tblrow_v, idx_v, row_v, wsem, sem):
        wid = lax.axis_index("s") * NC + lax.axis_index("c")
        q0 = wid * PER_W

        def task(i, f_prev):
            q = q0 + i
            f = lax.div(q, jnp.int32(EMBED_DIM))
            cp_row = pltpu.async_copy(tbl_hbm.at[q], tblrow_v, sem)

            @pl.when(f != f_prev)
            def _():
                pltpu.sync_copy(xt_hbm.at[f], idx_v)

            cp_row.wait()

            @pl.when(i > 0)
            def _():
                pltpu.make_async_copy(row_v, out_hbm.at[q], wsem).wait()

            @plsc.parallel_loop(0, BATCH // L, unroll=8)
            def gath(j):
                sl = pl.ds(j * L, L)
                row_v[sl] = plsc.load_gather(tblrow_v, [idx_v[sl]])

            pltpu.async_copy(row_v, out_hbm.at[q], wsem)
            return f

        lax.fori_loop(0, PER_W, task, jnp.int32(-1))
        pltpu.make_async_copy(row_v, out_hbm.at[q0], wsem).wait()

    return k(x_t, tbl2)


def kernel(x, tables):
    tbl2 = tables.transpose(0, 2, 1).reshape(NQ, VOCAB)
    out_t = _multi_embed(x.T, tbl2)
    return out_t.T

# --- scband reference (transcript-rebuilt; emitter-appended) ---
"""Pipeline reference for scband-multi-embedding-2430951490191 (READ-ONLY COPY).

The authoritative reference and input builder live on the scoring server;
editing this copy changes nothing except your own understanding.
"""

import jax, jax.numpy as jnp
import numpy as np

NUM_FIELDS = 26
VOCAB = 100000
EMBED_DIM = 32
BATCH = 4096

def setup_inputs(seed: int = 0) -> dict:
    key = jax.random.key(seed)
    k_idx, k_tab = jax.random.split(key)
    # forward arg: x int indices [batch, n_fields], values in [0, VOCAB)
    x = jax.random.randint(k_idx, (BATCH, NUM_FIELDS), 0, VOCAB, dtype=jnp.int32)
    # learned params: one embedding table per field; all fields share vocab/dim here,
    # so we materialize them as a stacked array [NUM_FIELDS, VOCAB, EMBED_DIM]
    tables = jax.random.normal(k_tab, (NUM_FIELDS, VOCAB, EMBED_DIM), dtype=jnp.float32) * 0.02
    return {"x": x, "tables": tables}

def reference(x, tables):
    # faithful translation of MultiEmbedding.forward:
    # torch.cat([emb_i(x[..., i]) for i, emb_i in enumerate(layers)], dim=-1)
    outs = [jnp.take(tables[i], x[:, i], axis=0) for i in range(NUM_FIELDS)]
    return jnp.concatenate(outs, axis=-1)

if __name__ == "__main__":
    import jax
    _d = setup_inputs()
    print(jax.jit(kernel)(*tuple(_d.values())))

</pallas_src>

<mosaic_0001>
#map = affine_map<(d0, d1) -> (0, 0)>
module attributes {stable_mosaic.version = 14 : i64} {
  func.func @k(%arg0: i32, %arg1: i32, %arg2: memref<26x4096xi32, #tpu.memory_space<hbm>>, %arg3: memref<832x100000xf32, #tpu.memory_space<hbm>>, %arg4: memref<832x4096xf32, #tpu.memory_space<hbm>>, %arg5: memref<100000xf32, #tpu.memory_space<vmem>>, %arg6: memref<4096xi32, #tpu.memory_space<vmem>>, %arg7: memref<4096xf32, #tpu.memory_space<vmem>>, %arg8: memref<!tpu.dma_semaphore, #tpu.memory_space<semaphore_mem>>, %arg9: memref<!tpu.dma_semaphore, #tpu.memory_space<semaphore_mem>>) attributes {dimension_semantics = [#tpu.dimension_semantics<core_parallel>, #tpu.dimension_semantics<subcore_parallel>], iteration_bounds = array<i64: 2, 16>, scalar_prefetch = 0 : i64, scratch_operands = 5 : i64, tpu.core_type = #tpu.core_type<sc_vector_subcore>, window_params = [{transform_indices = #map}, {transform_indices = #map}, {transform_indices = #map}]} {
    %mul3A = arith.constant 2 : i32
    %mul3A_0 = arith.muli %arg1, %mul3A : i32
    %add3A = arith.addi %mul3A_0, %arg0 : i32
    %mul3A_1 = arith.constant 26 : i32
    %mul3A_2 = arith.muli %add3A, %mul3A_1 : i32
    %scan3A = arith.constant -1 : i32
    %scan3A_3 = arith.constant 0 : i32
    %scan3A_4 = arith.constant 26 : i32
    %scan3A_5 = arith.addi %scan3A_3, %scan3A_4 : i32
    %scan3A_6 = arith.constant 1 : i32
    %scan3A_7 = scf.for %scan3A_14 = %scan3A_3 to %scan3A_5 step %scan3A_6 iter_args(%scan3A_15 = %scan3A) -> (i32)  : i32 {
      %add3A_16 = arith.addi %mul3A_2, %scan3A_14 : i32
      %div3A = arith.constant 32 : i32
      %div3A_17 = arith.divsi %add3A_16, %div3A : i32
      %dma_start3A = arith.constant 0 : i32
      %dma_start3A_18 = tpu.memref_slice %arg3[%add3A_16, %dma_start3A] : memref<832x100000xf32, #tpu.memory_space<hbm>> -> memref<1x100000xf32, #tpu.memory_space<hbm>>
      %dma_start3A_19 = tpu.memref_squeeze %dma_start3A_18 : memref<1x100000xf32, #tpu.memory_space<hbm>> -> memref<100000xf32, #tpu.memory_space<hbm>>
      %dma_start3A_20 = arith.constant 0 : i32
      %dma_start3A_21 = tpu.memref_slice %arg3[%add3A_16, %dma_start3A_20] : memref<832x100000xf32, #tpu.memory_space<hbm>> -> memref<1x100000xf32, #tpu.memory_space<hbm>>
      %dma_start3A_22 = tpu.memref_squeeze %dma_start3A_21 : memref<1x100000xf32, #tpu.memory_space<hbm>> -> memref<100000xf32, #tpu.memory_space<hbm>>
      tpu.enqueue_dma source(%dma_start3A_22 : memref<100000xf32, #tpu.memory_space<hbm>>) target(%arg5 : memref<100000xf32, #tpu.memory_space<vmem>>) target_semaphore(%arg9 : memref<!tpu.dma_semaphore, #tpu.memory_space<semaphore_mem>>)
      %ne3A = arith.cmpi ne, %div3A_17, %scan3A_15 : i32
      %convert_element_type3A = arith.extui %ne3A : i1 to i32
      %cond3A = arith.constant 0 : i32
      %cond3A_23 = arith.cmpi ne, %convert_element_type3A, %cond3A : i32
      scf.if %cond3A_23 {
        "tpu.region"() ({
          %run_scoped3A = tpu.sem_alloc : memref<!tpu.dma_semaphore, #tpu.memory_space<semaphore_mem>>
          %dma_start3A_42 = arith.constant 0 : i32
          %dma_start3A_43 = tpu.memref_slice %arg2[%div3A_17, %dma_start3A_42] : memref<26x4096xi32, #tpu.memory_space<hbm>> -> memref<1x4096xi32, #tpu.memory_space<hbm>>
          %dma_start3A_44 = tpu.memref_squeeze %dma_start3A_43 : memref<1x4096xi32, #tpu.memory_space<hbm>> -> memref<4096xi32, #tpu.memory_space<hbm>>
          %dma_start3A_45 = arith.constant 0 : i32
          %dma_start3A_46 = tpu.memref_slice %arg2[%div3A_17, %dma_start3A_45] : memref<26x4096xi32, #tpu.memory_space<hbm>> -> memref<1x4096xi32, #tpu.memory_space<hbm>>
          %dma_start3A_47 = tpu.memref_squeeze %dma_start3A_46 : memref<1x4096xi32, #tpu.memory_space<hbm>> -> memref<4096xi32, #tpu.memory_space<hbm>>
          tpu.enqueue_dma source(%dma_start3A_47 : memref<4096xi32, #tpu.memory_space<hbm>>) target(%arg6 : memref<4096xi32, #tpu.memory_space<vmem>>) target_semaphore(%run_scoped3A : memref<!tpu.dma_semaphore, #tpu.memory_space<semaphore_mem>>)
          %dma_wait3A_48 = arith.constant 0 : i32
          %dma_wait3A_49 = tpu.memref_slice %arg2[%div3A_17, %dma_wait3A_48] : memref<26x4096xi32, #tpu.memory_space<hbm>> -> memref<1x4096xi32, #tpu.memory_space<hbm>>
          %dma_wait3A_50 = tpu.memref_squeeze %dma_wait3A_49 : memref<1x4096xi32, #tpu.memory_space<hbm>> -> memref<4096xi32, #tpu.memory_space<hbm>>
          %dma_wait3A_51 = arith.constant 0 : i32
          %dma_wait3A_52 = tpu.memref_slice %arg2[%div3A_17, %dma_wait3A_51] : memref<26x4096xi32, #tpu.memory_space<hbm>> -> memref<1x4096xi32, #tpu.memory_space<hbm>>
          %dma_wait3A_53 = tpu.memref_squeeze %dma_wait3A_52 : memref<1x4096xi32, #tpu.memory_space<hbm>> -> memref<4096xi32, #tpu.memory_space<hbm>>
          tpu.wait_dma2 semaphore(%run_scoped3A : memref<!tpu.dma_semaphore, #tpu.memory_space<semaphore_mem>>) src(%dma_wait3A_53 : memref<4096xi32, #tpu.memory_space<hbm>>) dst(%arg6 : memref<4096xi32, #tpu.memory_space<vmem>>)
          tpu.yield
        }) : () -> ()
      } else {
      }
      %dma_wait3A_24 = arith.constant 0 : i32
      %dma_wait3A_25 = tpu.memref_slice %arg3[%add3A_16, %dma_wait3A_24] : memref<832x100000xf32, #tpu.memory_space<hbm>> -> memref<1x100000xf32, #tpu.memory_space<hbm>>
      %dma_wait3A_26 = tpu.memref_squeeze %dma_wait3A_25 : memref<1x100000xf32, #tpu.memory_space<hbm>> -> memref<100000xf32, #tpu.memory_space<hbm>>
      %dma_wait3A_27 = arith.constant 0 : i32
      %dma_wait3A_28 = tpu.memref_slice %arg3[%add3A_16, %dma_wait3A_27] : memref<832x100000xf32, #tpu.memory_space<hbm>> -> memref<1x100000xf32, #tpu.memory_space<hbm>>
      %dma_wait3A_29 = tpu.memref_squeeze %dma_wait3A_28 : memref<1x100000xf32, #tpu.memory_space<hbm>> -> memref<100000xf32, #tpu.memory_space<hbm>>
      tpu.wait_dma2 semaphore(%arg9 : memref<!tpu.dma_semaphore, #tpu.memory_space<semaphore_mem>>) src(%dma_wait3A_29 : memref<100000xf32, #tpu.memory_space<hbm>>) dst(%arg5 : memref<100000xf32, #tpu.memory_space<vmem>>)
      %gt3A = arith.constant 0 : i32
      %gt3A_30 = arith.cmpi sgt, %scan3A_14, %gt3A : i32
      %convert_element_type3A_31 = arith.extui %gt3A_30 : i1 to i32
      %cond3A_32 = arith.constant 0 : i32
      %cond3A_33 = arith.cmpi ne, %convert_element_type3A_31, %cond3A_32 : i32
      scf.if %cond3A_33 {
        %dma_wait3A_42 = arith.constant 0 : i32
        %dma_wait3A_43 = tpu.memref_slice %arg4[%add3A_16, %dma_wait3A_42] : memref<832x4096xf32, #tpu.memory_space<hbm>> -> memref<1x4096xf32, #tpu.memory_space<hbm>>
        %dma_wait3A_44 = tpu.memref_squeeze %dma_wait3A_43 : memref<1x4096xf32, #tpu.memory_space<hbm>> -> memref<4096xf32, #tpu.memory_space<hbm>>
        %dma_wait3A_45 = arith.constant 0 : i32
        %dma_wait3A_46 = tpu.memref_slice %arg4[%add3A_16, %dma_wait3A_45] : memref<832x4096xf32, #tpu.memory_space<hbm>> -> memref<1x4096xf32, #tpu.memory_space<hbm>>
        %dma_wait3A_47 = tpu.memref_squeeze %dma_wait3A_46 : memref<1x4096xf32, #tpu.memory_space<hbm>> -> memref<4096xf32, #tpu.memory_space<hbm>>
        tpu.wait_dma2 semaphore(%arg8 : memref<!tpu.dma_semaphore, #tpu.memory_space<semaphore_mem>>) src(%arg7 : memref<4096xf32, #tpu.memory_space<vmem>>) dst(%dma_wait3A_47 : memref<4096xf32, #tpu.memory_space<hbm>>)
      } else {
      }
      %parallel_loop3A = arith.constant 0 : i32
      %parallel_loop3A_34 = arith.constant 256 : i32
      %parallel_loop3A_35 = arith.constant 1 : i32
      scf.for %parallel_loop3A_42 = %parallel_loop3A to %parallel_loop3A_34 step %parallel_loop3A_35  : i32 {
        %parallel_loop3A_43 = arith.constant 16 : i32
        %parallel_loop3A_44 = arith.muli %parallel_loop3A_42, %parallel_loop3A_43 : i32
        %parallel_loop3A_45 = arith.index_cast %parallel_loop3A_44 : i32 to index
        %parallel_loop3A_46 = tpu.vector_load %arg6[%parallel_loop3A_45] {strides = array<i32>} : memref<4096xi32, #tpu.memory_space<vmem>>, vector<16xi32>,
        %parallel_loop3A_47 = tpu.vector_load_idx %arg5[%parallel_loop3A_46] : memref<100000xf32, #tpu.memory_space<vmem>>[vector<16xi32>], vector<16xf32>,
        %parallel_loop3A_48 = arith.index_cast %parallel_loop3A_44 : i32 to index
        %parallel_loop3A_49 = tpu.vector_load %arg7[%parallel_loop3A_48] {strides = array<i32>} : memref<4096xf32, #tpu.memory_space<vmem>>, vector<16xf32>,
        tpu.vector_store %arg7[%parallel_loop3A_48], %parallel_loop3A_47 {strides = array<i32>} : memref<4096xf32, #tpu.memory_space<vmem>>, vector<16xf32>,
      } {sc.loop_unroll_factor = 8 : i64, sc.parallel_access}
      %dma_start3A_36 = arith.constant 0 : i32
      %dma_start3A_37 = tpu.memref_slice %arg4[%add3A_16, %dma_start3A_36] : memref<832x4096xf32, #tpu.memory_space<hbm>> -> memref<1x4096xf32, #tpu.memory_space<hbm>>
      %dma_start3A_38 = tpu.memref_squeeze %dma_start3A_37 : memref<1x4096xf32, #tpu.memory_space<hbm>> -> memref<4096xf32, #tpu.memory_space<hbm>>
      %dma_start3A_39 = arith.constant 0 : i32
      %dma_start3A_40 = tpu.memref_slice %arg4[%add3A_16, %dma_start3A_39] : memref<832x4096xf32, #tpu.memory_space<hbm>> -> memref<1x4096xf32, #tpu.memory_space<hbm>>
      %dma_start3A_41 = tpu.memref_squeeze %dma_start3A_40 : memref<1x4096xf32, #tpu.memory_space<hbm>> -> memref<4096xf32, #tpu.memory_space<hbm>>
      tpu.enqueue_dma source(%arg7 : memref<4096xf32, #tpu.memory_space<vmem>>) target(%dma_start3A_41 : memref<4096xf32, #tpu.memory_space<hbm>>) target_semaphore(%arg8 : memref<!tpu.dma_semaphore, #tpu.memory_space<semaphore_mem>>)
      scf.yield %div3A_17 : i32
    }
    %scan3A_8 = arith.constant 26 : i32
    %dma_wait3A = arith.constant 0 : i32
    %dma_wait3A_9 = tpu.memref_slice %arg4[%mul3A_2, %dma_wait3A] : memref<832x4096xf32, #tpu.memory_space<hbm>> -> memref<1x4096xf32, #tpu.memory_space<hbm>>
    %dma_wait3A_10 = tpu.memref_squeeze %dma_wait3A_9 : memref<1x4096xf32, #tpu.memory_space<hbm>> -> memref<4096xf32, #tpu.memory_space<hbm>>
    %dma_wait3A_11 = arith.constant 0 : i32
    %dma_wait3A_12 = tpu.memref_slice %arg4[%mul3A_2, %dma_wait3A_11] : memref<832x4096xf32, #tpu.memory_space<hbm>> -> memref<1x4096xf32, #tpu.memory_space<hbm>>
    %dma_wait3A_13 = tpu.memref_squeeze %dma_wait3A_12 : memref<1x4096xf32, #tpu.memory_space<hbm>> -> memref<4096xf32, #tpu.memory_space<hbm>>
    tpu.wait_dma2 semaphore(%arg8 : memref<!tpu.dma_semaphore, #tpu.memory_space<semaphore_mem>>) src(%arg7 : memref<4096xf32, #tpu.memory_space<vmem>>) dst(%dma_wait3A_13 : memref<4096xf32, #tpu.memory_space<hbm>>)
    return
  }
}

</mosaic_0001>

<sc_bundles>
// kernel: kernel.3.cloned.1.call-start
scs
__scs_entry_jumppad:
0x0: {  	(pc) =	sbr.rel $0x88, $3  }
0x1: {  	(tag) =	ssettag $0x0;
	lr =	simm.s32 $0x1  }
0x2: {  	[smem:$0x3F9F] =	sst lr;
	_ =	strace $0xD0000000  }
0x3: {  	_ = 	snop  }
0x4: {  	_ = 	snop  }
0x5: {  	_ = 	snop  }
0x6: {  	_ = 	snop  }
0x7: {  	_ = 	snop  }
__scs_overlays_trampoline_lowered:
0x8: {  	[smem:$0x3FAE] =	sst s0  }
0x9: {  	[smem:$0x3FAF] =	sst s1  }
0xa: {  	[smem:$0x3FB0] =	sst s2  }
0xb: {  	[smem:$0x3FB1] =	sst s3  }
0xc: {  	[smem:$0x3FB2] =	sst s4  }
0xd: {  	[smem:$0x3FB3] =	sst s5  }
0xe: {  	[smem:$0x3FB4] =	sst s6  }
0xf: {  	[smem:$0x3FB5] =	sst s7  }
0x10: {  	[smem:$0x3FB6] =	sst s8  }
0x11: {  	[smem:$0x3FB7] =	sst s9;
	s0 =	simm.s32 @!p0 $0x0  }
0x12: {  	s1 =	sld [smem:$0x3F9D];
	s0 =	simm.s32 @p0 $0x1  }
0x13: {  	[smem:$0x3FB8] =	sst s0;
	s0 =	simm.s32 @!p1 $0x0  }
0x14: {  	s2 =	sld [smem:$0x3F9C];
	s0 =	simm.s32 @p1 $0x1  }
0x15: {  	[smem:$0x3FB9] =	sst s0;
	s0 =	simm.s32 @!p2 $0x0  }
0x16: {  	s3 =	sld [smem:$0x3FDB];
	s0 =	simm.s32 @p2 $0x1  }
0x17: {  	s4 =	simm.s32 $0x1BF5;
	[smem:$0x3FBB] =	sst s0  }
0x18: {  	s0 =	sld [smem:$0x3F9E];
	_ =	swait.ge [sflag:s4], $0x0  }
0x19: {  	s7 =	sld [smem:$0x3F9F]  }
0x1a: {  	s8 =	sadd.s32 $0xFFFFE003, lr  }
0x1b: {  	s9 =	sadd.s32 $0xFFFFFEF7, lr;
	s5 =	simm.s32 $0xFFFFFFFF;
	p2 =	slt.u32 s8, $0xFFFFF086  }
0x1c: {  	p1 =	slt.u32 s9, $0xF7A;
	s5 =	simm.s32 @!p2 $0x0  }
0x1d: {  	s5 =	simm.s32 @p1 $0x1;
	p0 =	seq.s32 s7, s2  }
0x1e: {  	s7 =	smul.u32 @!p0 $0xF7A, s2;
	p2 =	seq.s32 @!p0 s5, $0x0  }
0x1f: {  	s9 =	smul.u32 $0xF7A, s1;
	s8 =	simm.s32 @!p0 $0x1BF5;
	p2 =	por !p2, p0  }
0x20: {  	[sflag:s8] =	ssyncset.s32 @!p0 $0xFFFFF086;
	s6 =	sadd.s32 @!p0 s3, s7;
	s7 =	simm.s32 @!p0 $0x108  }
0x21: {  	s3 =	sadd.s32 s3, s9;
	s6 =	sadd.s32 @!p0 $0x88, s6;
	s7 =	simm.s32 @p2 $0x1082  }
0x22: {  	[simem:s7], [sflag:s8] =	dma.local @!p0 [hbm:s6], $0xF7A  }
0x23: {  	s9 =	sor.u32 $0xD0000000, s2;
	s6 =	simm.s32 $0x108;
	_ =	swait.ge @!p0 [sflag:s8], $0x0  }
0x24: {  	s3 =	sadd.s32 $0x88, s3;
	s6 =	simm.s32 @!p1 $0x1082;
	[sflag:s4] =	ssyncset.s32 $0xFFFFF086  }
0x25: {  	[simem:s6], [sflag:s4] =	dma.local [hbm:s3], $0xF7A  }
0x26: {  	[smem:$0x3F9F] =	sst s1;
	(tag) =	ssettag s2;
	_ =	strace s9  }
0x27: {  	s1 =	sld [smem:$0x3FAF]  }
0x28: {  	s2 =	sld [smem:$0x3FB0]  }
0x29: {  	s4 =	sld [smem:$0x3FB2]  }
0x2a: {  	p0 =	seq.s32 s5, $0x0;
	s5 =	sld [smem:$0x3FB3]  }
0x2b: {  	s6 =	sld [smem:$0x3FB4]  }
0x2c: {  	s7 =	sld [smem:$0x3FB5]  }
0x2d: {  	s3 =	simm.s32 $0x108;
	s8 =	sld [smem:$0x3FB6]  }
0x2e: {  	s3 =	simm.s32 @!p0 $0x1082;
	s9 =	sld [smem:$0x3FB7]  }
0x2f: {  	lr =	sadd.s32 s0, s3;
	s0 =	sld [smem:$0x3FAE]  }
0x30: {  	s3 =	sld [smem:$0x3FB1]  }
0x31: {  	[smem:$0x3FBA] =	sst s10  }
0x32: {  	s10 =	sld [smem:$0x3FB8];
	_ =	sdelay $0x3  }
0x33: {  	p0 =	seq.s32 s10, $0x1;
	s10 =	sld [smem:$0x3FBA];
	_ =	sdelay $0x3  }
0x34: {  	[smem:$0x3FBA] =	sst s10  }
0x35: {  	s10 =	sld [smem:$0x3FB9];
	_ =	sdelay $0x3  }
0x36: {  	p1 =	seq.s32 s10, $0x1;
	s10 =	sld [smem:$0x3FBA];
	_ =	sdelay $0x3  }
0x37: {  	[smem:$0x3FBA] =	sst s10  }
0x38: {  	s10 =	sld [smem:$0x3FBB]  }
0x39: {  	_ = 	snop;
	(pc) =	sbr.ind lr, $3  }
0x3a: {  	_ = 	snop  }
0x3b: {  	_ = 	snop  }
0x3c: {  	p2 =	seq.s32 s10, $0x1;
	s10 =	sld [smem:$0x3FBA]  }
0x3d: {  	_ =	shalt  }
0x3e: {  	_ =	shalt  }
0x3f: {  	_ =	shalt  }
0x40: {  	_ =	shalt  }
0x41: {  	_ =	shalt  }
0x42: {  	_ =	shalt  }
0x43: {  	_ =	shalt  }
0x44: {  	_ =	shalt  }
0x45: {  	_ =	shalt  }
0x46: {  	_ =	shalt  }
0x47: {  	_ =	shalt  }
0x48: {  	_ =	shalt  }
0x49: {  	_ =	shalt  }
0x4a: {  	_ =	shalt  }
0x4b: {  	_ =	shalt  }
0x4c: {  	_ =	shalt  }
0x4d: {  	_ =	shalt  }
0x4e: {  	_ =	shalt  }
0x4f: {  	_ =	shalt  }
0x50: {  	_ =	shalt  }
0x51: {  	_ =	shalt  }
0x52: {  	_ =	shalt  }
0x53: {  	_ =	shalt  }
0x54: {  	_ =	shalt  }
0x55: {  	_ =	shalt  }
0x56: {  	_ =	shalt  }
0x57: {  	_ =	shalt  }
0x58: {  	_ =	shalt  }
0x59: {  	_ =	shalt  }
0x5a: {  	_ =	shalt  }
0x5b: {  	_ =	shalt  }
0x5c: {  	_ =	shalt  }
0x5d: {  	_ =	shalt  }
0x5e: {  	_ =	shalt  }
0x5f: {  	_ =	shalt  }
0x60: {  	_ =	shalt  }
0x61: {  	_ =	shalt  }
0x62: {  	_ =	shalt  }
0x63: {  	_ =	shalt  }
0x64: {  	_ =	shalt  }
0x65: {  	_ =	shalt  }
0x66: {  	_ =	shalt  }
0x67: {  	_ =	shalt  }
0x68: {  	_ =	shalt  }
0x69: {  	_ =	shalt  }
0x6a: {  	_ =	shalt  }
0x6b: {  	_ =	shalt  }
0x6c: {  	_ =	shalt  }
0x6d: {  	_ =	shalt  }
0x6e: {  	_ =	shalt  }
0x6f: {  	_ =	shalt  }
0x70: {  	_ =	shalt  }
0x71: {  	_ =	shalt  }
0x72: {  	_ =	shalt  }
0x73: {  	_ =	shalt  }
0x74: {  	_ =	shalt  }
0x75: {  	_ =	shalt  }
0x76: {  	_ =	shalt  }
0x77: {  	_ =	shalt  }
0x78: {  	_ =	shalt  }
0x79: {  	_ =	shalt  }
0x7a: {  	_ =	shalt  }
0x7b: {  	_ =	shalt  }
0x7c: {  	_ =	shalt  }
0x7d: {  	_ =	shalt  }
0x7e: {  	_ =	shalt  }
0x7f: {  	_ =	shalt  }
0x80: {  	_ =	shalt  }
0x81: {  	_ =	shalt  }
0x82: {  	_ =	shalt  }
0x83: {  	_ =	shalt  }
0x84: {  	_ =	shalt  }
0x85: {  	_ =	shalt  }
0x86: {  	_ =	shalt  }
0x87: {  	_ =	shalt  }
.Lfunc_end0:
.L_simem_size_0:
called_computation_lowered:
.L_overlay_start_0:
0x88: {  	s2 =	sld [smem:$0x3FD9]  }
0x89: {  	s3 =	sld [smem:$0x3FFE];
	_ =	sdelay $0x1  }
0x8a: {  	s1 =	srdreg.scid  }
0x8b: {  	s0 =	sand.u32 $0x1, s1  }
0x8c: {  	s18 =	sshll.u32 s0, $0xA;
	s2 =	sadd.s32 s3, s2  }
0x8d: {  	s2 =	sadd.s32 s2, s18  }
0x8e: {  	[smem:$0x3FC6] =	sst s2  }
0x8f: {  	_ = 	snop  }
0x90: {  	s2 =	sld [smem:$0x3FC9]  }
0x91: {  	s19 =	sld [smem:$0x3FC8]  }
0x92: {  	s4 =	sld [smem:$0x3FD0];
	(tm) =	ssettm $0x1  }
0x93: {  	s5 =	sld [smem:$0x3FFB];
	_ =	sdelay $0x3  }
0x94: {  	_ =	strace s5  }
0x95: {  	s5 =	sld [smem:$0x3FFC];
	_ =	sdelay $0x3  }
0x96: {  	_ =	strace s5  }
0x97: {  	s5 =	sld [smem:$0x3FFD];
	_ =	sdelay $0x3  }
0x98: {  	_ =	strace s5  }
0x99: {  	_ =	strace $0x8FFFFFFF  }
0x9a: {  	s20 =	sld [smem:$0x3FDB];
	_ =	sdelay $0x1  }
0x9b: {  	s6 =	simm.s32 $_scs_section_size  }
0x9c: {  	s7 =	simm.s32 $_size__tile_overlayer_lowered;
	s8 =	simm.s32 $_tile_overlayer_lowered  }
0x9d: {  	s23 =	simm.s32 $0x1BFF;
	s22 =	sshll.u32 s8, $0x1;
	s5 =	sadd.s32 s6, s20  }
0x9e: {  	s9 =	simm.s32 $0x0;
	s21 =	sshll.u32 s7, $0x1;
	s7 =	sadd.s32 s22, s5  }
0x9f: {  	[timem:s9], [sflag:s23] =	dma.local [hbm:s7], s21  }
0xa0: {  	_ =	swait.ge [sflag:s23], s21  }
0xa1: {  	s6 =	ssub.s32 $0x0, s21;
	[sflag:s23] =	ssyncset.done $0x0  }
0xa2: {  	[sflag:s23] =	ssyncadd.s32 s6;
	_ =	sdelay $0x1  }
0xa3: {  	s24 =	simm.s32 $0x1B8B  }
0xa4: {  	_ =	swait.ge [sflag:s24], $0x1  }
0xa5: {  	[sflag:s24] =	ssyncset.done $0x0  }
0xa6: {  	s25 =	simm.s32 $0x1B8E;
	[sflag:s24] =	ssyncadd.s32 $0xFFFFFFFF  }
0xa7: {  	s26 =	simm.s32 $execute0_lowered;
	[smem:$0x3FD2] =	sst s25  }
0xa8: {  	s6 =	sshll.u32 s26, $0x1;
	_ =	strace $0x80000046;
	[dreg:$0x1] =	wrdreg $0xFFFFFFFF  }
0xa9: {  	s28 =	simm.s32 $_size_execute0_lowered;
	s5 =	sadd.s32 s5, s6;
	[dreg:$0x0] =	wrdreg $0x0  }
0xaa: {  	s6 =	sshll.u32 s28, $0x1;
	[dreg:$0x2] =	wrdreg s5  }
0xab: {  	[dreg:$0x3] =	wrdreg s6  }
0xac: {  	[dreg:$0x4] =	wrdreg $0xC0  }
0xad: {  	_ =	task [dreg:s9], $0x5FFFF  }
0xae: {  	[dreg:$0x1] =	wrdreg $0xFFFFFFFF  }
0xaf: {  	[dreg:$0x0] =	wrdreg $0x60  }
0xb0: {  	[dreg:$0x2] =	wrdreg s2  }
0xb1: {  	[dreg:$0x3] =	wrdreg s19  }
0xb2: {  	[dreg:$0x4] =	wrdreg s4  }
0xb3: {  	[dreg:$0x5] =	wrdreg $0x9  }
0xb4: {  	_ =	task.clear_ibuf [dreg:s9], $0x6FFFF;
	_ =	strace $0x90000046  }
0xb5: {  	s29 =	simm.s32 $0x9;
	_ =	strace $0x80000048  }
0xb6: {  	_ =	swait.ge [sflag:s29], $0x1  }
0xb7: {  	[sflag:s29] =	ssyncadd.s32 $0xFFFFFFFF  }
0xb8: {  	_ =	strace $0x90000048  }
0xb9: {  	_ =	sfence  }
0xba: {  	s30 =	sld [smem:$0x0];
	_ =	sdelay $0x2  }
0xbb: {  	s31 =	sshll.u32 s1, $0xD;
	s1 =	sshrl.u32 s1, $0x2  }
0xbc: {  	s3 =	sand.u32 $0x4000, s31;
	s1 =	sadd.s32 s1, s30  }
0xbd: {  	s0 =	sor.u32 s3, s0;
	s1 =	sshll.u32 s1, $0x11  }
0xbe: {  	s0 =	sor.u32 s1, s0  }
0xbf: {  	s0 =	sadd.s32 $0x8F2B, s0  }
0xc0: {  	[sflag:s0] =	ssyncadd.remote.s32 $0x1  }
0xc1: {  	_ =	sfence.sel $0xFFFF  }
0xc2: {  	[dreg:$0x0] =	wrdreg $0xFFFFFFFF;
	(pc) =	sbr.abs _section_cstart, $3  }
0xc3: {  	[dreg:$0x1] =	wrdreg $0xFFFFFFFF  }
0xc4: {  	_ =	task.clear_ibuf [dreg:s9], $0x2FFFF;
	_ =	strace $0x9FFFFFFF  }
0xc5: {  	(tm) =	ssettm $0x7FFFFFFF  }
tec
execute0_lowered:
.L_overlay_start_1:
0x0: {  	(tag) =	ssettag $0x1  }
0x1: {  	s1 =	rddreg [dreg:$0x0]  }
0x2: {  	s2 =	rddreg [dreg:$0x1];
	s0 =	srdreg.scid  }
0x3: {  	s4 =	rddreg [dreg:$0x2];
	s3 =	stileid.u32  }
0x4: {  	s5 =	simm.s32 $0x0;
	s10 =	simm.s32 $0x2;
	s11 =	simm.s32 $0x19700  }
0x5: {  	s12 =	simm.s32 $0x1;
	s13 =	simm.s32 $0x0;
	s6 =	sand.u32 $0x1, s0  }
0x6: {  	s0 =	rddreg [dreg:$0x3];
	s9 =	sshll.u32 s3, $0x1;
	s7 =	ssub.s32 $0x2, s6  }
0x7: {  	[smem:$0x7FF] =	sst s5;
	s6 =	sor.u32 s6, s9;
	s8 =	sshrl.u32 s7, $0x1  }
0x8: {  	_ =	strace $0x80000047;
	s9 =	simm.s32 $0x400;
	s7 =	ssub.s32 s7, s8  }
0x9: {  	s6 =	smul.u32 $0x1A, s6;
	s8 =	simm.s32 $0x80;
	s7 =	smax.u32 s7, $0x1  }
.LBB2_1:
0xa: {  	s15 =	simm.s32 $0xFFFFFFFF;
	s14 =	simm.s32 $0x0  }
.LBB2_2:
0xb: {  	s18 =	sadd.s32 s6, s14  }
0xc: {  	s16 =	sshrl.u32 s18, $0x3  }
0xd: {  	s17 =	sshll.u32 s18, $0x7;
	s19 =	smul.u32 $0xC3800, s16  }
0xe: {  	s20 =	smov.u32 s15;
	s15 =	sshrl.u32 s18, $0x5;
	s17 =	sand.u32 $0x380, s17  }
0xf: {  	p0 =	seq.s32 s15, s20;
	s19 =	sor.u32 s17, s19  }
0x10: {  	s18 =	sshll.u32 @!p0 s15, $0x4;
	s19 =	sshrl.u32 s19, $0x3  }
0x11: {  	s18 =	sand.u32 @!p0 $0x70, s18;
	s30 =	sadd.s32 s2, s19;
	s19 =	sshll.u32 @!p0 s15, $0x9  }
0x12: {  	[tilespmem:s5], [sflag:$0x2] =	stream.strided.gather [hbm4b:s30+s8], $0x18700, s9, s8, $0x38;
	[tilespmem:$0x1A700] =	vst v63  }
0x13: {  	s20 =	simm.s32 @!p0 $0x400;
	s18 =	sadd.s32 @!p0 s1, s18;
	s19 =	sand.u32 @!p0 $0xFFFF000, s19  }
0x14: {  	s21 =	simm.s32 @!p0 $0x18700;
	s18 =	sadd.s32 @!p0 s19, s18;
	s19 =	simm.s32 @!p0 $0x80  }
0x15: {  	[tilespmem:s21], [sflag:$0x3] =	stream.strided.gather @!p0 [hbm4b:s18+s19], $0x1000, s20, s19, $0x38;
	[tilespmem:$0x1A700] =	vst v63  }
0x16: {  	s18 =	simm.s32 @!p0 $0x3  }
0x17: {  	_ =	swait.ge @!p0 [sflag:s18], $0x1000  }
0x18: {  	[sflag:s18] =	ssyncset.done @!p0 $0x0  }
0x19: {  	[sflag:s18] =	ssyncadd.s32 @!p0 $0xFFFFF000  }
0x1a: {  	_ =	swait.ge [sflag:s10], $0x18700  }
0x1b: {  	p0 =	seq.s32 s14, $0x0;
	[sflag:s10] =	ssyncset.done $0x0  }
0x1c: {  	s18 =	simm.s32 @!p0 $0x1;
	[sflag:s10] =	ssyncadd.s32 $0xFFFE7900  }
0x1d: {  	_ =	swait.ge @!p0 [sflag:s18], $0x1000  }
0x1e: {  	[sflag:s18] =	ssyncset.done @!p0 $0x0  }
0x1f: {  	s31 =	simm.s32 $0x18740;
	[sflag:s18] =	ssyncadd.s32 @!p0 $0xFFFFF000  }
0x20: {  	v0 =	vld [tilespmem:s31+$0x30]  }
0x21: {  	v1 =	vld [tilespmem:s31+$0xFFFFFFD0]  }
0x22: {  	v2 =	vld [tilespmem:s31+$0xFFFFFFE0]  }
0x23: {  	v3 =	vld [tilespmem:s31+$0xFFFFFFF0]  }
0x24: {  	v6 =	vld [tilespmem:s31+$0x0]  }
0x25: {  	v7 =	vld [tilespmem:s31+$0x10]  }
0x26: {  	v8 =	vld [tilespmem:s31+$0x20]  }
0x27: {  	v9 =	vld [tilespmem:s31+$0xFFFFFFC0]  }
0x28: {  	v10 =	vld.idx.msk [tilespmem:v0+s5+$0x0], $0xffff  }
0x29: {  	v11 =	vld.idx.msk [tilespmem:v1+s5+$0x0], $0xffff  }
0x2a: {  	v5 =	vld.idx.msk [tilespmem:v2+s5+$0x0], $0xffff  }
0x2b: {  	v4 =	vld.idx.msk [tilespmem:v3+s5+$0x0], $0xffff  }
0x2c: {  	v3 =	vld.idx.msk [tilespmem:v6+s5+$0x0], $0xffff  }
0x2d: {  	s18 =	simm.s32 $0x19740;
	v1 =	vld.idx.msk [tilespmem:v7+s5+$0x0], $0xffff  }
0x2e: {  	v0 =	vld.idx.msk [tilespmem:v8+s5+$0x0], $0xffff;
	[tilespmem:s18+$0x30] =	vst v10  }
0x2f: {  	s19 =	simm.s32 $0x0;
	s20 =	simm.s32 $0x187C0;
	v2 =	vld.idx.msk [tilespmem:v9+s5+$0x0], $0xffff;
	[tilespmem:s18+$0xFFFFFFD0] =	vst v11  }
.LBB2_3:
0x30: {  	v6 =	vld [tilespmem:s20+$0x30];
	s19 =	sadd.s32 $0x8, s19;
	[tilespmem:s18+$0xFFFFFFE0] =	vst v5  }
0x31: {  	v5 =	vld [tilespmem:s20+$0xFFFFFFD0];
	p0 =	slt.u32 s19, $0xF8;
	[tilespmem:s18+$0xFFFFFFF0] =	vst v4  }
0x32: {  	v4 =	vld [tilespmem:s20+$0xFFFFFFE0];
	[tilespmem:s18+$0x0] =	vst v3  }
0x33: {  	v3 =	vld [tilespmem:s20+$0xFFFFFFF0];
	[tilespmem:s18+$0x10] =	vst v1  }
0x34: {  	v1 =	vld [tilespmem:s20+$0x0];
	[tilespmem:s18+$0x20] =	vst v0  }
0x35: {  	v0 =	vld [tilespmem:s20+$0x10];
	[tilespmem:s18+$0xFFFFFFC0] =	vst v2  }
0x36: {  	v2 =	vld [tilespmem:s20+$0x20]  }
0x37: {  	v7 =	vld [tilespmem:s20+$0xFFFFFFC0]  }
0x38: {  	v6 =	vld.idx.msk [tilespmem:v6+s5+$0x0], $0xffff  }
0x39: {  	v8 =	vld.idx.msk [tilespmem:v5+s5+$0x0], $0xffff  }
0x3a: {  	v5 =	vld.idx.msk [tilespmem:v4+s5+$0x0], $0xffff  }
.Ltmp0:
0x3b: {  	v4 =	vld.idx.msk [tilespmem:v3+s5+$0x0], $0xffff;
	(pc) =	sbr.rel @p0 .LBB2_3-.Ltmp0, $4  }
0x3c: {  	v3 =	vld.idx.msk [tilespmem:v1+s5+$0x0], $0xffff  }
0x3d: {  	s18 =	sadd.s32 $0x80, s18;
	v1 =	vld.idx.msk [tilespmem:v0+s5+$0x0], $0xffff  }
0x3e: {  	v0 =	vld.idx.msk [tilespmem:v2+s5+$0x0], $0xffff;
	[tilespmem:s18+$0x30] =	vst v6  }
0x3f: {  	s20 =	sadd.s32 $0x80, s20;
	v2 =	vld.idx.msk [tilespmem:v7+s5+$0x0], $0xffff;
	[tilespmem:s18+$0xFFFFFFD0] =	vst v8  }
0x40: {  	[tilespmem:s18+$0xFFFFFFE0] =	vst v5;
	s14 =	sadd.s32 $0x1, s14  }
0x41: {  	[tilespmem:s18+$0xFFFFFFF0] =	vst v4;
	p0 =	sne.s32 s14, $0x1A  }
.Ltmp1:
0x42: {  	s16 =	sshll.u32 s16, $0xF;
	[tilespmem:s18+$0x0] =	vst v3;
	(pc) =	sbr.rel @p0 .LBB2_2-.Ltmp1, $4  }
0x43: {  	s16 =	sor.u32 s17, s16;
	[tilespmem:s18+$0x10] =	vst v1  }
0x44: {  	s16 =	sshrl.u32 s16, $0x3;
	[tilespmem:s18+$0x20] =	vst v0  }
0x45: {  	s16 =	sadd.s32 s4, s16;
	[tilespmem:s18+$0xFFFFFFC0] =	vst v2  }
0x46: {  	[hbm4b:s16+s8] =	stream.strided.scatter [tilespmem:s11], [sflag:$0x1], $0x1000, s9, s8, $0x38;
	[tilespmem:$0x1A700] =	vst v63  }
0x47: {  	s13 =	sadd.s32 $0x1, s13  }
0x48: {  	p0 =	sne.s32 s13, s7  }
.Ltmp2:
0x49: {  	_ = 	snop;
	(pc) =	sbr.rel @p0 .LBB2_1-.Ltmp2, $4  }
0x4a: {  	_ = 	snop  }
0x4b: {  	_ =	swait.ge [sflag:s12], $0x1000  }
0x4c: {  	[sflag:s12] =	ssyncset.done $0x0  }
0x4d: {  	[sflag:s12] =	ssyncadd.s32 $0xFFFFF000  }
0x4e: {  	_ =	sfence.sel $0x180000  }
0x4f: {  	[bflag:$0x0] =	sbarrier.arrive $0xFFFF  }
0x50: {  	p0 =	sne.s32 s3, $0x0;
	_ =	strace $0x90000047  }
0x51: {  	s0 =	sadd.s32 @!p0 $0x100000, s0;
	[bflag:$0x2] =	sbarrier.arrive $0xFFFF  }
0x52: {  	[sflag:s0] =	ssyncadd.tile.s32 @!p0 $0x1;
	_ =	shalt  }
.Lfunc_end2:
_tile_overlayer_lowered:
.L_overlay_start_2:
0x53: {  	(tag) =	ssettag $0x2  }
0x54: {  	s0 =	rddreg [dreg:$0x0];
	s2 =	stileid.u32  }
0x55: {  	s1 =	rddreg [dreg:$0x1];
	p0 =	sne.s32 s2, $0x0  }
0x56: {  	s3 =	rddreg [dreg:$0x2];
	[bflag:$0x3] =	sbarrier.arrive $0xFFFF;
	s2 =	simm.s32 @!p0 $0x1C03  }
0x57: {  	[timem:s3], [sflag:s2] =	dma.local @!p0 [hbm:s0], s1  }
0x58: {  	s0 =	simm.s32 @!p0 $0x3  }
0x59: {  	_ =	swait.ge @!p0 [sflag:s0], s1  }
0x5a: {  	s1 =	ssub.s32 @!p0 $0x0, s1;
	[sflag:s0] =	ssyncset.done @!p0 $0x0  }
0x5b: {  	[sflag:s0] =	ssyncadd.s32 @!p0 s1  }
0x5c: {  	[bflag:$0x3] =	sbarrier.arrive $0xFFFF  }
0x5d: {  	_ =	shalt  }

</sc_bundles>
